<compile_context>
chip_gen: v7x
topology: tpu7x:2x2x1
jax: 0.10.2.dev20260603
libtpu: 0.0.44.dev20260713+nightly
codegen_flags: <defaults>
</compile_context>

<pallas_src>
import functools

import jax
import jax.numpy as jnp
from jax import lax
from jax.experimental import pallas as pl
from jax.experimental.pallas import tpu as pltpu
from jax.experimental.pallas import tpu_sc as plsc

S = 16384
NC = 2
NS = 16
L = 16
NW = NC * NS
ROWS = 128
COLS = S // ROWS


def _sc_kernel(n, n8, per_w, t):
    groups = t // L
    n_tail = n - n8

    @functools.partial(
        pl.kernel,
        out_type=jax.ShapeDtypeStruct((NC, ROWS, COLS), jnp.float32),
        mesh=plsc.VectorSubcoreMesh(
            core_axis_name="c", subcore_axis_name="s",
            num_cores=NC, num_subcores=NS),
        compiler_params=pltpu.CompilerParams(needs_layout_passes=False),
        scratch_types=[
            pltpu.VMEM((t,), jnp.float32),
            pltpu.VMEM((t,), jnp.float32),
            pltpu.VMEM((t,), jnp.float32),
            pltpu.VMEM((S,), jnp.float32),
            pltpu.VMEM((ROWS, COLS), jnp.float32),
            pltpu.VMEM((ROWS,), jnp.int32),
            pltpu.VMEM((L,), jnp.float32),
            pltpu.VMEM((L,), jnp.float32),
            pltpu.VMEM((L,), jnp.float32),
            pltpu.VMEM_SHARED((ROWS, COLS), jnp.float32),
            pltpu.SemaphoreType.DMA,
        ],
    )
    def k(a_hbm, b_hbm, val_hbm, x_hbm, out_hbm, a_v, b_v, val_v, x_v, y_v,
          rows_v, ta_v, tb_v, tval_v, y_shared, sem):
        c = lax.axis_index("c")
        s = lax.axis_index("s")
        wid = c * NS + s
        base = jnp.minimum(wid * per_w, n8 - t)
        lo = wid * per_w - base
        hi = jnp.minimum((wid + 1) * per_w, n8) - base

        d_x = pltpu.async_copy(x_hbm, x_v, sem)
        d_a = pltpu.async_copy(a_hbm.at[pl.ds(base, t)], a_v, sem)
        d_b = pltpu.async_copy(b_hbm.at[pl.ds(base, t)], b_v, sem)
        d_v = pltpu.async_copy(val_hbm.at[pl.ds(base, t)], val_v, sem)

        zeros16 = jnp.zeros((L,), jnp.float32)
        iota16 = lax.iota(jnp.int32, L)

        @plsc.parallel_loop(0, ROWS * (COLS // L), 1, unroll=8)
        def _(i):
            y_v[i >> 3, pl.ds((i & 7) * L, L)] = zeros16

        @plsc.parallel_loop(0, ROWS // L, 1, unroll=8)
        def _(i):
            rows_v[pl.ds(i * L, L)] = iota16 + i * L

        @pl.when(s == 0)
        def _():
            pltpu.sync_copy(y_v, y_shared)

        d_x.wait()
        d_a.wait()
        d_b.wait()
        d_v.wait()
        plsc.subcore_barrier()

        one16 = jnp.ones((L,), jnp.int32)
        zero16 = jnp.zeros((L,), jnp.int32)
        fone16 = jnp.ones((L,), jnp.float32)

        def accumulate(av, bv, v, m):
            fai = av.astype(jnp.int32)
            fa = fai.astype(jnp.float32)
            ta = av - fa
            ma = av > fa
            cai = fai + jnp.where(ma, one16, zero16)
            fbi = bv.astype(jnp.int32)
            fb = fbi.astype(jnp.float32)
            tb = bv - fb
            mb = bv > fb
            cbi = fbi + jnp.where(mb, one16, zero16)

            xf = plsc.load_gather(x_v, [fbi], mask=m)
            xc = plsc.load_gather(x_v, [cbi], mask=m)

            t0 = v * ((1.0 - tb) * xf + jnp.where(mb, tb, fone16) * xc)
            sf = (1.0 - ta) * t0
            sc = jnp.where(ma, ta, fone16) * t0

            plsc.addupdate_scatter(
                y_v, [fai >> 7, fai & (COLS - 1)], sf, mask=m)
            plsc.addupdate_scatter(
                y_v, [cai >> 7, cai & (COLS - 1)], sc, mask=m)

        @plsc.parallel_loop(0, groups, 1, unroll=4)
        def _(g):
            sl = pl.ds(g * L, L)
            ivec = iota16 + g * L
            m = (ivec >= lo) & (ivec < hi)
            accumulate(a_v[sl], b_v[sl], val_v[sl], m)

        if n_tail:
            @pl.when(wid == 0)
            def _():
                idx_t = jnp.minimum(iota16 + n8, n - 1)
                pltpu.async_copy(a_hbm.at[idx_t], ta_v, sem).wait()
                pltpu.async_copy(b_hbm.at[idx_t], tb_v, sem).wait()
                pltpu.async_copy(val_hbm.at[idx_t], tval_v, sem).wait()
                mt = iota16 < n_tail
                sl = pl.ds(0, L)
                accumulate(ta_v[sl], tb_v[sl], tval_v[sl], mt)

        pltpu.sync_copy(y_v, y_shared.at[rows_v], add=True)
        plsc.subcore_barrier()

        @pl.when(s == 0)
        def _():
            pltpu.sync_copy(y_shared, out_hbm.at[c])

    return k


def _combine(p_ref, o_ref):
    o_ref[...] = p_ref[0] + p_ref[1]


def kernel(input, real_indices, real_values):
    n = real_indices.shape[0]
    n8 = (n // 8) * 8
    per_w = ((n8 + NW - 1) // NW + 7) // 8 * 8
    t = (per_w + L - 1) // L * L

    a_col = real_indices[:, 0]
    b_col = real_indices[:, 1]
    partials = _sc_kernel(n, n8, per_w, t)(a_col, b_col, real_values, input)

    y = pl.pallas_call(
        _combine,
        out_shape=jax.ShapeDtypeStruct((ROWS, COLS), jnp.float32),
    )(partials)
    return y.reshape(S)

# --- scband reference (transcript-rebuilt; emitter-appended) ---
"""Pipeline reference for scband-hyper-layer-87746181857565 (READ-ONLY COPY).

The authoritative reference and input builder live on the scoring server;
editing this copy changes nothing except your own understanding.
"""

import itertools
import jax, jax.numpy as jnp
import numpy as np

S = 16384
N_NNZ = 268435
OUT_SHAPE = (16384,)


def setup_inputs(seed: int = 0) -> dict:
    key = jax.random.key(seed)
    k1, k2, k3 = jax.random.split(key, 3)
    x = jax.random.normal(k1, (S,), dtype=jnp.float32)
    # hyper-network output: real-valued index tuples (in_idx, out_idx) and values
    real_indices = jax.random.uniform(k2, (N_NNZ, 2), minval=0.0, maxval=float(S - 1), dtype=jnp.float32)
    real_values = jax.random.normal(k3, (N_NNZ,), dtype=jnp.float32)
    return {"input": x, "real_indices": real_indices, "real_values": real_values}


def _discretize(ind, val):
    # vectorized version of the torch discretize(): distribute each real-valued
    # index tuple over its 2^k integer (floor/ceil) neighbors.
    n, k = ind.shape
    fl = jnp.floor(ind)
    ce = jnp.ceil(ind)
    patterns = jnp.asarray(np.array(list(itertools.product([True, False], repeat=k))))  # (2^k, k) bool
    ints = jnp.where(patterns[None, :, :], fl[:, None, :], ce[:, None, :])  # (n, 2^k, k)
    diffs = ints - ind[:, None, :]
    props = jnp.prod(1.0 - jnp.abs(diffs), axis=2)  # (n, 2^k)
    vals = jnp.broadcast_to(val[:, None], props.shape)
    return ints.reshape(-1, k), props.reshape(-1), vals.reshape(-1)


def _flat_index(idx, shape):
    # fi(): row-major flattening of index tuples for a tensor of the given shape
    strides = np.array([int(np.prod(shape[i + 1:])) for i in range(len(shape))], dtype=np.int64)
    return jnp.sum(idx * jnp.asarray(strides, dtype=idx.dtype)[None, :], axis=1).astype(jnp.int32)


def _forward(input, real_indices, real_values):
    in_shape = input.shape
    inrank = len(in_shape)
    ints, props, vals = _discretize(real_indices, real_values)
    # flatten_indices: first in_rank columns index the (flattened) input,
    # remaining columns index the (flattened) output shape
    idx_in = _flat_index(ints[:, :inrank], in_shape)
    idx_out = _flat_index(ints[:, inrank:], OUT_SHAPE)
    weights = props * vals
    x_flat = input.reshape(-1)
    ly = int(np.prod(OUT_SHAPE))
    # faithful to torch forward: y_flat[i] = sum_j w[i][(j, val)] * x_flat[j]
    # where i = flat in-shape index column, j = flat out-shape index column
    y_flat = jnp.zeros((ly,), dtype=input.dtype).at[idx_in].add(weights * x_flat[idx_out])
    return y_flat.reshape(OUT_SHAPE)


def reference(input, real_indices, real_values):
    return _forward(input, real_indices, real_values)

if __name__ == "__main__":
    import jax
    _d = setup_inputs()
    print(jax.jit(kernel)(*tuple(_d.values())))

</pallas_src>

<mosaic_0001>
#map = affine_map<(d0, d1) -> (0)>
#map1 = affine_map<(d0, d1) -> (0, 0, 0)>
module attributes {stable_mosaic.version = 14 : i64} {
  func.func @k(%arg0: i32, %arg1: i32, %arg2: memref<268435xf32, #tpu.memory_space<hbm>>, %arg3: memref<268435xf32, #tpu.memory_space<hbm>>, %arg4: memref<268435xf32, #tpu.memory_space<hbm>>, %arg5: memref<16384xf32, #tpu.memory_space<hbm>>, %arg6: memref<2x128x128xf32, #tpu.memory_space<hbm>>, %arg7: memref<8400xf32, #tpu.memory_space<vmem>>, %arg8: memref<8400xf32, #tpu.memory_space<vmem>>, %arg9: memref<8400xf32, #tpu.memory_space<vmem>>, %arg10: memref<16384xf32, #tpu.memory_space<vmem>>, %arg11: memref<128x128xf32, #tpu.memory_space<vmem>>, %arg12: memref<128xi32, #tpu.memory_space<vmem>>, %arg13: memref<16xf32, #tpu.memory_space<vmem>>, %arg14: memref<16xf32, #tpu.memory_space<vmem>>, %arg15: memref<16xf32, #tpu.memory_space<vmem>>, %arg16: memref<128x128xf32, #tpu.memory_space<vmem_shared>>, %arg17: memref<!tpu.dma_semaphore, #tpu.memory_space<semaphore_mem>>) attributes {dimension_semantics = [#tpu.dimension_semantics<core_parallel>, #tpu.dimension_semantics<subcore_parallel>], iteration_bounds = array<i64: 2, 16>, scalar_prefetch = 0 : i64, scratch_operands = 11 : i64, tpu.core_type = #tpu.core_type<sc_vector_subcore>, window_params = [{transform_indices = #map}, {transform_indices = #map}, {transform_indices = #map}, {transform_indices = #map}, {transform_indices = #map1}]} {
    %mul3A = arith.constant 16 : i32
    %mul3A_0 = arith.muli %arg0, %mul3A : i32
    %add3A = arith.addi %mul3A_0, %arg1 : i32
    %mul3A_1 = arith.constant 8392 : i32
    %mul3A_2 = arith.muli %add3A, %mul3A_1 : i32
    %min3A = arith.constant 260032 : i32
    %min3A_3 = arith.minsi %mul3A_2, %min3A : i32
    %mul3A_4 = arith.constant 8392 : i32
    %mul3A_5 = arith.muli %add3A, %mul3A_4 : i32
    %sub3A = arith.subi %mul3A_5, %min3A_3 : i32
    %add3A_6 = arith.constant 1 : i32
    %add3A_7 = arith.addi %add3A, %add3A_6 : i32
    %mul3A_8 = arith.constant 8392 : i32
    %mul3A_9 = arith.muli %add3A_7, %mul3A_8 : i32
    %min3A_10 = arith.constant 268432 : i32
    %min3A_11 = arith.minsi %mul3A_9, %min3A_10 : i32
    %sub3A_12 = arith.subi %min3A_11, %min3A_3 : i32
    tpu.enqueue_dma source(%arg5 : memref<16384xf32, #tpu.memory_space<hbm>>) target(%arg10 : memref<16384xf32, #tpu.memory_space<vmem>>) target_semaphore(%arg17 : memref<!tpu.dma_semaphore, #tpu.memory_space<semaphore_mem>>)
    %dma_start3A = tpu.memref_slice %arg2[%min3A_3] : memref<268435xf32, #tpu.memory_space<hbm>> -> memref<8400xf32, #tpu.memory_space<hbm>>
    %dma_start3A_13 = tpu.memref_slice %arg2[%min3A_3] : memref<268435xf32, #tpu.memory_space<hbm>> -> memref<8400xf32, #tpu.memory_space<hbm>>
    tpu.enqueue_dma source(%dma_start3A_13 : memref<8400xf32, #tpu.memory_space<hbm>>) target(%arg7 : memref<8400xf32, #tpu.memory_space<vmem>>) target_semaphore(%arg17 : memref<!tpu.dma_semaphore, #tpu.memory_space<semaphore_mem>>)
    %dma_start3A_14 = tpu.memref_slice %arg3[%min3A_3] : memref<268435xf32, #tpu.memory_space<hbm>> -> memref<8400xf32, #tpu.memory_space<hbm>>
    %dma_start3A_15 = tpu.memref_slice %arg3[%min3A_3] : memref<268435xf32, #tpu.memory_space<hbm>> -> memref<8400xf32, #tpu.memory_space<hbm>>
    tpu.enqueue_dma source(%dma_start3A_15 : memref<8400xf32, #tpu.memory_space<hbm>>) target(%arg8 : memref<8400xf32, #tpu.memory_space<vmem>>) target_semaphore(%arg17 : memref<!tpu.dma_semaphore, #tpu.memory_space<semaphore_mem>>)
    %dma_start3A_16 = tpu.memref_slice %arg4[%min3A_3] : memref<268435xf32, #tpu.memory_space<hbm>> -> memref<8400xf32, #tpu.memory_space<hbm>>
    %dma_start3A_17 = tpu.memref_slice %arg4[%min3A_3] : memref<268435xf32, #tpu.memory_space<hbm>> -> memref<8400xf32, #tpu.memory_space<hbm>>
    tpu.enqueue_dma source(%dma_start3A_17 : memref<8400xf32, #tpu.memory_space<hbm>>) target(%arg9 : memref<8400xf32, #tpu.memory_space<vmem>>) target_semaphore(%arg17 : memref<!tpu.dma_semaphore, #tpu.memory_space<semaphore_mem>>)
    %broadcast_in_dim3A = arith.constant 0.000000e+00 : f32
    %broadcast_in_dim3A_18 = vector.broadcast %broadcast_in_dim3A : f32 to vector<16xf32>
    %iota3A = tpu.iota {dimensions = array<i32: 0>} : vector<16xi32>
    %parallel_loop3A = arith.constant 0 : i32
    %parallel_loop3A_19 = arith.constant 1024 : i32
    %parallel_loop3A_20 = arith.constant 1 : i32
    scf.for %parallel_loop3A_51 = %parallel_loop3A to %parallel_loop3A_19 step %parallel_loop3A_20  : i32 {
      %parallel_loop3A_52 = arith.constant 3 : i32
      %parallel_loop3A_53 = arith.shrsi %parallel_loop3A_51, %parallel_loop3A_52 : i32
      %parallel_loop3A_54 = arith.constant 7 : i32
      %parallel_loop3A_55 = arith.andi %parallel_loop3A_51, %parallel_loop3A_54 : i32
      %parallel_loop3A_56 = arith.constant 16 : i32
      %parallel_loop3A_57 = arith.muli %parallel_loop3A_55, %parallel_loop3A_56 : i32
      %parallel_loop3A_58 = arith.index_cast %parallel_loop3A_53 : i32 to index
      %parallel_loop3A_59 = arith.index_cast %parallel_loop3A_57 : i32 to index
      %parallel_loop3A_60 = tpu.vector_load %arg11[%parallel_loop3A_58, %parallel_loop3A_59] {strides = array<i32>} : memref<128x128xf32, #tpu.memory_space<vmem>>, vector<16xf32>,
      tpu.vector_store %arg11[%parallel_loop3A_58, %parallel_loop3A_59], %broadcast_in_dim3A_18 {strides = array<i32>} : memref<128x128xf32, #tpu.memory_space<vmem>>, vector<16xf32>,
    } {sc.loop_unroll_factor = 8 : i64, sc.parallel_access}
    %parallel_loop3A_21 = arith.constant 0 : i32
    %parallel_loop3A_22 = arith.constant 8 : i32
    %parallel_loop3A_23 = arith.constant 1 : i32
    scf.for %parallel_loop3A_51 = %parallel_loop3A_21 to %parallel_loop3A_22 step %parallel_loop3A_23  : i32 {
      %parallel_loop3A_52 = arith.constant 16 : i32
      %parallel_loop3A_53 = arith.muli %parallel_loop3A_51, %parallel_loop3A_52 : i32
      %parallel_loop3A_54 = vector.broadcast %parallel_loop3A_53 : i32 to vector<16xi32>
      %parallel_loop3A_55 = arith.addi %iota3A, %parallel_loop3A_54 : vector<16xi32>
      %parallel_loop3A_56 = arith.constant 16 : i32
      %parallel_loop3A_57 = arith.muli %parallel_loop3A_51, %parallel_loop3A_56 : i32
      %parallel_loop3A_58 = arith.index_cast %parallel_loop3A_57 : i32 to index
      %parallel_loop3A_59 = tpu.vector_load %arg12[%parallel_loop3A_58] {strides = array<i32>} : memref<128xi32, #tpu.memory_space<vmem>>, vector<16xi32>,
      tpu.vector_store %arg12[%parallel_loop3A_58], %parallel_loop3A_55 {strides = array<i32>} : memref<128xi32, #tpu.memory_space<vmem>>, vector<16xi32>,
    } {sc.loop_unroll_factor = 8 : i64, sc.parallel_access}
    %eq3A = arith.constant 0 : i32
    %eq3A_24 = arith.cmpi eq, %arg1, %eq3A : i32
    %convert_element_type3A = arith.extui %eq3A_24 : i1 to i32
    %cond3A = arith.constant 0 : i32
    %cond3A_25 = arith.cmpi ne, %convert_element_type3A, %cond3A : i32
    scf.if %cond3A_25 {
      "tpu.region"() ({
        %run_scoped3A = tpu.sem_alloc : memref<!tpu.dma_semaphore, #tpu.memory_space<semaphore_mem>>
        tpu.enqueue_dma source(%arg11 : memref<128x128xf32, #tpu.memory_space<vmem>>) target(%arg16 : memref<128x128xf32, #tpu.memory_space<vmem_shared>>) target_semaphore(%run_scoped3A : memref<!tpu.dma_semaphore, #tpu.memory_space<semaphore_mem>>)
        tpu.wait_dma2 semaphore(%run_scoped3A : memref<!tpu.dma_semaphore, #tpu.memory_space<semaphore_mem>>) src(%arg11 : memref<128x128xf32, #tpu.memory_space<vmem>>) dst(%arg16 : memref<128x128xf32, #tpu.memory_space<vmem_shared>>)
        tpu.yield
      }) : () -> ()
    } else {
    }
    tpu.wait_dma2 semaphore(%arg17 : memref<!tpu.dma_semaphore, #tpu.memory_space<semaphore_mem>>) src(%arg5 : memref<16384xf32, #tpu.memory_space<hbm>>) dst(%arg10 : memref<16384xf32, #tpu.memory_space<vmem>>)
    %dma_wait3A = tpu.memref_slice %arg2[%min3A_3] : memref<268435xf32, #tpu.memory_space<hbm>> -> memref<8400xf32, #tpu.memory_space<hbm>>
    %dma_wait3A_26 = tpu.memref_slice %arg2[%min3A_3] : memref<268435xf32, #tpu.memory_space<hbm>> -> memref<8400xf32, #tpu.memory_space<hbm>>
    tpu.wait_dma2 semaphore(%arg17 : memref<!tpu.dma_semaphore, #tpu.memory_space<semaphore_mem>>) src(%dma_wait3A_26 : memref<8400xf32, #tpu.memory_space<hbm>>) dst(%arg7 : memref<8400xf32, #tpu.memory_space<vmem>>)
    %dma_wait3A_27 = tpu.memref_slice %arg3[%min3A_3] : memref<268435xf32, #tpu.memory_space<hbm>> -> memref<8400xf32, #tpu.memory_space<hbm>>
    %dma_wait3A_28 = tpu.memref_slice %arg3[%min3A_3] : memref<268435xf32, #tpu.memory_space<hbm>> -> memref<8400xf32, #tpu.memory_space<hbm>>
    tpu.wait_dma2 semaphore(%arg17 : memref<!tpu.dma_semaphore, #tpu.memory_space<semaphore_mem>>) src(%dma_wait3A_28 : memref<8400xf32, #tpu.memory_space<hbm>>) dst(%arg8 : memref<8400xf32, #tpu.memory_space<vmem>>)
    %dma_wait3A_29 = tpu.memref_slice %arg4[%min3A_3] : memref<268435xf32, #tpu.memory_space<hbm>> -> memref<8400xf32, #tpu.memory_space<hbm>>
    %dma_wait3A_30 = tpu.memref_slice %arg4[%min3A_3] : memref<268435xf32, #tpu.memory_space<hbm>> -> memref<8400xf32, #tpu.memory_space<hbm>>
    tpu.wait_dma2 semaphore(%arg17 : memref<!tpu.dma_semaphore, #tpu.memory_space<semaphore_mem>>) src(%dma_wait3A_30 : memref<8400xf32, #tpu.memory_space<hbm>>) dst(%arg9 : memref<8400xf32, #tpu.memory_space<vmem>>)
    %barrier3A = arith.constant 0 : index
    tpu.barrier barrier_id(%barrier3A)
    %broadcast_in_dim3A_31 = arith.constant 1 : i32
    %broadcast_in_dim3A_32 = vector.broadcast %broadcast_in_dim3A_31 : i32 to vector<16xi32>
    %broadcast_in_dim3A_33 = arith.constant 0 : i32
    %broadcast_in_dim3A_34 = vector.broadcast %broadcast_in_dim3A_33 : i32 to vector<16xi32>
    %broadcast_in_dim3A_35 = arith.constant 1.000000e+00 : f32
    %broadcast_in_dim3A_36 = vector.broadcast %broadcast_in_dim3A_35 : f32 to vector<16xf32>
    %parallel_loop3A_37 = arith.constant 0 : i32
    %parallel_loop3A_38 = arith.constant 525 : i32
    %parallel_loop3A_39 = arith.constant 1 : i32
    scf.for %parallel_loop3A_51 = %parallel_loop3A_37 to %parallel_loop3A_38 step %parallel_loop3A_39  : i32 {
      %parallel_loop3A_52 = arith.constant 16 : i32
      %parallel_loop3A_53 = arith.muli %parallel_loop3A_51, %parallel_loop3A_52 : i32
      %parallel_loop3A_54 = arith.constant 16 : i32
      %parallel_loop3A_55 = arith.muli %parallel_loop3A_51, %parallel_loop3A_54 : i32
      %parallel_loop3A_56 = vector.broadcast %parallel_loop3A_55 : i32 to vector<16xi32>
      %parallel_loop3A_57 = arith.addi %iota3A, %parallel_loop3A_56 : vector<16xi32>
      %parallel_loop3A_58 = vector.broadcast %sub3A : i32 to vector<16xi32>
      %parallel_loop3A_59 = arith.cmpi sge, %parallel_loop3A_57, %parallel_loop3A_58 : vector<16xi32>
      %parallel_loop3A_60 = vector.broadcast %sub3A_12 : i32 to vector<16xi32>
      %parallel_loop3A_61 = arith.cmpi slt, %parallel_loop3A_57, %parallel_loop3A_60 : vector<16xi32>
      %parallel_loop3A_62 = arith.andi %parallel_loop3A_59, %parallel_loop3A_61 : vector<16xi1>
      %parallel_loop3A_63 = arith.index_cast %parallel_loop3A_53 : i32 to index
      %parallel_loop3A_64 = tpu.vector_load %arg7[%parallel_loop3A_63] {strides = array<i32>} : memref<8400xf32, #tpu.memory_space<vmem>>, vector<16xf32>,
      %parallel_loop3A_65 = arith.index_cast %parallel_loop3A_53 : i32 to index
      %parallel_loop3A_66 = tpu.vector_load %arg8[%parallel_loop3A_65] {strides = array<i32>} : memref<8400xf32, #tpu.memory_space<vmem>>, vector<16xf32>,
      %parallel_loop3A_67 = arith.index_cast %parallel_loop3A_53 : i32 to index
      %parallel_loop3A_68 = tpu.vector_load %arg9[%parallel_loop3A_67] {strides = array<i32>} : memref<8400xf32, #tpu.memory_space<vmem>>, vector<16xf32>,
      %parallel_loop3A_69 = arith.fptosi %parallel_loop3A_64 : vector<16xf32> to vector<16xi32>
      %parallel_loop3A_70 = arith.sitofp %parallel_loop3A_69 : vector<16xi32> to vector<16xf32>
      %parallel_loop3A_71 = arith.subf %parallel_loop3A_64, %parallel_loop3A_70 : vector<16xf32>
      %parallel_loop3A_72 = arith.cmpf ogt, %parallel_loop3A_64, %parallel_loop3A_70 : vector<16xf32>
      %parallel_loop3A_73 = arith.select %parallel_loop3A_72, %broadcast_in_dim3A_32, %broadcast_in_dim3A_34 : vector<16xi1>, vector<16xi32>
      %parallel_loop3A_74 = arith.addi %parallel_loop3A_69, %parallel_loop3A_73 : vector<16xi32>
      %parallel_loop3A_75 = arith.fptosi %parallel_loop3A_66 : vector<16xf32> to vector<16xi32>
      %parallel_loop3A_76 = arith.sitofp %parallel_loop3A_75 : vector<16xi32> to vector<16xf32>
      %parallel_loop3A_77 = arith.subf %parallel_loop3A_66, %parallel_loop3A_76 : vector<16xf32>
      %parallel_loop3A_78 = arith.cmpf ogt, %parallel_loop3A_66, %parallel_loop3A_76 : vector<16xf32>
      %parallel_loop3A_79 = arith.select %parallel_loop3A_78, %broadcast_in_dim3A_32, %broadcast_in_dim3A_34 : vector<16xi1>, vector<16xi32>
      %parallel_loop3A_80 = arith.addi %parallel_loop3A_75, %parallel_loop3A_79 : vector<16xi32>
      %parallel_loop3A_81 = tpu.vector_load_idx %arg10[%parallel_loop3A_75] masked %parallel_loop3A_62 : memref<16384xf32, #tpu.memory_space<vmem>>[vector<16xi32>], vector<16xf32>, vector<16xi1>
      %parallel_loop3A_82 = tpu.vector_load_idx %arg10[%parallel_loop3A_80] masked %parallel_loop3A_62 : memref<16384xf32, #tpu.memory_space<vmem>>[vector<16xi32>], vector<16xf32>, vector<16xi1>
      %parallel_loop3A_83 = arith.constant 1.000000e+00 : f32
      %parallel_loop3A_84 = vector.broadcast %parallel_loop3A_83 : f32 to vector<16xf32>
      %parallel_loop3A_85 = arith.subf %parallel_loop3A_84, %parallel_loop3A_77 : vector<16xf32>
      %parallel_loop3A_86 = arith.mulf %parallel_loop3A_85, %parallel_loop3A_81 : vector<16xf32>
      %parallel_loop3A_87 = arith.select %parallel_loop3A_78, %parallel_loop3A_77, %broadcast_in_dim3A_36 : vector<16xi1>, vector<16xf32>
      %parallel_loop3A_88 = arith.mulf %parallel_loop3A_87, %parallel_loop3A_82 : vector<16xf32>
      %parallel_loop3A_89 = arith.addf %parallel_loop3A_86, %parallel_loop3A_88 : vector<16xf32>
      %parallel_loop3A_90 = arith.mulf %parallel_loop3A_68, %parallel_loop3A_89 : vector<16xf32>
      %parallel_loop3A_91 = arith.constant 1.000000e+00 : f32
      %parallel_loop3A_92 = vector.broadcast %parallel_loop3A_91 : f32 to vector<16xf32>
      %parallel_loop3A_93 = arith.subf %parallel_loop3A_92, %parallel_loop3A_71 : vector<16xf32>
      %parallel_loop3A_94 = arith.mulf %parallel_loop3A_93, %parallel_loop3A_90 : vector<16xf32>
      %parallel_loop3A_95 = arith.select %parallel_loop3A_72, %parallel_loop3A_71, %broadcast_in_dim3A_36 : vector<16xi1>, vector<16xf32>
      %parallel_loop3A_96 = arith.mulf %parallel_loop3A_95, %parallel_loop3A_90 : vector<16xf32>
      %parallel_loop3A_97 = arith.constant 7 : i32
      %parallel_loop3A_98 = vector.broadcast %parallel_loop3A_97 : i32 to vector<16xi32>
      %parallel_loop3A_99 = arith.shrsi %parallel_loop3A_69, %parallel_loop3A_98 : vector<16xi32>
      %parallel_loop3A_100 = arith.constant 127 : i32
      %parallel_loop3A_101 = vector.broadcast %parallel_loop3A_100 : i32 to vector<16xi32>
      %parallel_loop3A_102 = arith.andi %parallel_loop3A_69, %parallel_loop3A_101 : vector<16xi32>
      tpu.vector_store_idx %arg11[%parallel_loop3A_99, %parallel_loop3A_102], %parallel_loop3A_94 masked %parallel_loop3A_62 {add = true} : memref<128x128xf32, #tpu.memory_space<vmem>>[vector<16xi32>, vector<16xi32>], vector<16xf32>, vector<16xi1>
      %parallel_loop3A_103 = arith.constant 7 : i32
      %parallel_loop3A_104 = vector.broadcast %parallel_loop3A_103 : i32 to vector<16xi32>
      %parallel_loop3A_105 = arith.shrsi %parallel_loop3A_74, %parallel_loop3A_104 : vector<16xi32>
      %parallel_loop3A_106 = arith.constant 127 : i32
      %parallel_loop3A_107 = vector.broadcast %parallel_loop3A_106 : i32 to vector<16xi32>
      %parallel_loop3A_108 = arith.andi %parallel_loop3A_74, %parallel_loop3A_107 : vector<16xi32>
      tpu.vector_store_idx %arg11[%parallel_loop3A_105, %parallel_loop3A_108], %parallel_loop3A_96 masked %parallel_loop3A_62 {add = true} : memref<128x128xf32, #tpu.memory_space<vmem>>[vector<16xi32>, vector<16xi32>], vector<16xf32>, vector<16xi1>
    } {sc.loop_unroll_factor = 4 : i64, sc.parallel_access}
    %eq3A_40 = arith.constant 0 : i32
    %eq3A_41 = arith.cmpi eq, %add3A, %eq3A_40 : i32
    %convert_element_type3A_42 = arith.extui %eq3A_41 : i1 to i32
    %cond3A_43 = arith.constant 0 : i32
    %cond3A_44 = arith.cmpi ne, %convert_element_type3A_42, %cond3A_43 : i32
    scf.if %cond3A_44 {
      %add3A_51 = arith.constant 268432 : i32
      %add3A_52 = vector.broadcast %add3A_51 : i32 to vector<16xi32>
      %add3A_53 = arith.addi %iota3A, %add3A_52 : vector<16xi32>
      %min3A_54 = arith.constant 268434 : i32
      %min3A_55 = vector.broadcast %min3A_54 : i32 to vector<16xi32>
      %min3A_56 = arith.minsi %add3A_53, %min3A_55 : vector<16xi32>
      %dma_start3A_57 = arith.constant 0 : i32
      %dma_start3A_58 = tpu.memref_slice %arg2[%dma_start3A_57] : memref<268435xf32, #tpu.memory_space<hbm>> -> memref<268435xf32, #tpu.memory_space<hbm>>
      tpu.enqueue_indirect_dma source(%dma_start3A_58 : memref<268435xf32, #tpu.memory_space<hbm>>) target(%arg13 : memref<16xf32, #tpu.memory_space<vmem>>) offsets(%min3A_56 : vector<16xi32>) semaphore(%arg17 : memref<!tpu.dma_semaphore, #tpu.memory_space<semaphore_mem>>)
      %dma_wait3A_59 = arith.constant 0 : i32
      %dma_wait3A_60 = tpu.memref_slice %arg2[%dma_wait3A_59] : memref<268435xf32, #tpu.memory_space<hbm>> -> memref<268435xf32, #tpu.memory_space<hbm>>
      tpu.wait_indirect_dma semaphore(%arg17 : memref<!tpu.dma_semaphore, #tpu.memory_space<semaphore_mem>>) src(%dma_wait3A_60 : memref<268435xf32, #tpu.memory_space<hbm>>) dst(%arg13 : memref<16xf32, #tpu.memory_space<vmem>>)
      %dma_start3A_61 = arith.constant 0 : i32
      %dma_start3A_62 = tpu.memref_slice %arg3[%dma_start3A_61] : memref<268435xf32, #tpu.memory_space<hbm>> -> memref<268435xf32, #tpu.memory_space<hbm>>
      tpu.enqueue_indirect_dma source(%dma_start3A_62 : memref<268435xf32, #tpu.memory_space<hbm>>) target(%arg14 : memref<16xf32, #tpu.memory_space<vmem>>) offsets(%min3A_56 : vector<16xi32>) semaphore(%arg17 : memref<!tpu.dma_semaphore, #tpu.memory_space<semaphore_mem>>)
      %dma_wait3A_63 = arith.constant 0 : i32
      %dma_wait3A_64 = tpu.memref_slice %arg3[%dma_wait3A_63] : memref<268435xf32, #tpu.memory_space<hbm>> -> memref<268435xf32, #tpu.memory_space<hbm>>
      tpu.wait_indirect_dma semaphore(%arg17 : memref<!tpu.dma_semaphore, #tpu.memory_space<semaphore_mem>>) src(%dma_wait3A_64 : memref<268435xf32, #tpu.memory_space<hbm>>) dst(%arg14 : memref<16xf32, #tpu.memory_space<vmem>>)
      %dma_start3A_65 = arith.constant 0 : i32
      %dma_start3A_66 = tpu.memref_slice %arg4[%dma_start3A_65] : memref<268435xf32, #tpu.memory_space<hbm>> -> memref<268435xf32, #tpu.memory_space<hbm>>
      tpu.enqueue_indirect_dma source(%dma_start3A_66 : memref<268435xf32, #tpu.memory_space<hbm>>) target(%arg15 : memref<16xf32, #tpu.memory_space<vmem>>) offsets(%min3A_56 : vector<16xi32>) semaphore(%arg17 : memref<!tpu.dma_semaphore, #tpu.memory_space<semaphore_mem>>)
      %dma_wait3A_67 = arith.constant 0 : i32
      %dma_wait3A_68 = tpu.memref_slice %arg4[%dma_wait3A_67] : memref<268435xf32, #tpu.memory_space<hbm>> -> memref<268435xf32, #tpu.memory_space<hbm>>
      tpu.wait_indirect_dma semaphore(%arg17 : memref<!tpu.dma_semaphore, #tpu.memory_space<semaphore_mem>>) src(%dma_wait3A_68 : memref<268435xf32, #tpu.memory_space<hbm>>) dst(%arg15 : memref<16xf32, #tpu.memory_space<vmem>>)
      %lt3A = arith.constant 3 : i32
      %lt3A_69 = vector.broadcast %lt3A : i32 to vector<16xi32>
      %lt3A_70 = arith.cmpi slt, %iota3A, %lt3A_69 : vector<16xi32>
      %get3A = arith.constant 0 : index
      %get3A_71 = tpu.vector_load %arg13[%get3A] {strides = array<i32>} : memref<16xf32, #tpu.memory_space<vmem>>, vector<16xf32>,
      %get3A_72 = arith.constant 0 : index
      %get3A_73 = tpu.vector_load %arg14[%get3A_72] {strides = array<i32>} : memref<16xf32, #tpu.memory_space<vmem>>, vector<16xf32>,
      %get3A_74 = arith.constant 0 : index
      %get3A_75 = tpu.vector_load %arg15[%get3A_74] {strides = array<i32>} : memref<16xf32, #tpu.memory_space<vmem>>, vector<16xf32>,
      %convert_element_type3A_76 = arith.fptosi %get3A_71 : vector<16xf32> to vector<16xi32>
      %convert_element_type3A_77 = arith.sitofp %convert_element_type3A_76 : vector<16xi32> to vector<16xf32>
      %sub3A_78 = arith.subf %get3A_71, %convert_element_type3A_77 : vector<16xf32>
      %gt3A = arith.cmpf ogt, %get3A_71, %convert_element_type3A_77 : vector<16xf32>
      %select_n3A = arith.select %gt3A, %broadcast_in_dim3A_32, %broadcast_in_dim3A_34 : vector<16xi1>, vector<16xi32>
      %add3A_79 = arith.addi %convert_element_type3A_76, %select_n3A : vector<16xi32>
      %convert_element_type3A_80 = arith.fptosi %get3A_73 : vector<16xf32> to vector<16xi32>
      %convert_element_type3A_81 = arith.sitofp %convert_element_type3A_80 : vector<16xi32> to vector<16xf32>
      %sub3A_82 = arith.subf %get3A_73, %convert_element_type3A_81 : vector<16xf32>
      %gt3A_83 = arith.cmpf ogt, %get3A_73, %convert_element_type3A_81 : vector<16xf32>
      %select_n3A_84 = arith.select %gt3A_83, %broadcast_in_dim3A_32, %broadcast_in_dim3A_34 : vector<16xi1>, vector<16xi32>
      %add3A_85 = arith.addi %convert_element_type3A_80, %select_n3A_84 : vector<16xi32>
      %gather3A = tpu.vector_load_idx %arg10[%convert_element_type3A_80] masked %lt3A_70 : memref<16384xf32, #tpu.memory_space<vmem>>[vector<16xi32>], vector<16xf32>, vector<16xi1>
      %gather3A_86 = tpu.vector_load_idx %arg10[%add3A_85] masked %lt3A_70 : memref<16384xf32, #tpu.memory_space<vmem>>[vector<16xi32>], vector<16xf32>, vector<16xi1>
      %sub3A_87 = arith.constant 1.000000e+00 : f32
      %sub3A_88 = vector.broadcast %sub3A_87 : f32 to vector<16xf32>
      %sub3A_89 = arith.subf %sub3A_88, %sub3A_82 : vector<16xf32>
      %mul3A_90 = arith.mulf %sub3A_89, %gather3A : vector<16xf32>
      %select_n3A_91 = arith.select %gt3A_83, %sub3A_82, %broadcast_in_dim3A_36 : vector<16xi1>, vector<16xf32>
      %mul3A_92 = arith.mulf %select_n3A_91, %gather3A_86 : vector<16xf32>
      %add3A_93 = arith.addf %mul3A_90, %mul3A_92 : vector<16xf32>
      %mul3A_94 = arith.mulf %get3A_75, %add3A_93 : vector<16xf32>
      %sub3A_95 = arith.constant 1.000000e+00 : f32
      %sub3A_96 = vector.broadcast %sub3A_95 : f32 to vector<16xf32>
      %sub3A_97 = arith.subf %sub3A_96, %sub3A_78 : vector<16xf32>
      %mul3A_98 = arith.mulf %sub3A_97, %mul3A_94 : vector<16xf32>
      %select_n3A_99 = arith.select %gt3A, %sub3A_78, %broadcast_in_dim3A_36 : vector<16xi1>, vector<16xf32>
      %mul3A_100 = arith.mulf %select_n3A_99, %mul3A_94 : vector<16xf32>
      %shift_right_arithmetic3A = arith.constant 7 : i32
      %shift_right_arithmetic3A_101 = vector.broadcast %shift_right_arithmetic3A : i32 to vector<16xi32>
      %shift_right_arithmetic3A_102 = arith.shrsi %convert_element_type3A_76, %shift_right_arithmetic3A_101 : vector<16xi32>
      %and3A = arith.constant 127 : i32
      %and3A_103 = vector.broadcast %and3A : i32 to vector<16xi32>
      %and3A_104 = arith.andi %convert_element_type3A_76, %and3A_103 : vector<16xi32>
      tpu.vector_store_idx %arg11[%shift_right_arithmetic3A_102, %and3A_104], %mul3A_98 masked %lt3A_70 {add = true} : memref<128x128xf32, #tpu.memory_space<vmem>>[vector<16xi32>, vector<16xi32>], vector<16xf32>, vector<16xi1>
      %shift_right_arithmetic3A_105 = arith.constant 7 : i32
      %shift_right_arithmetic3A_106 = vector.broadcast %shift_right_arithmetic3A_105 : i32 to vector<16xi32>
      %shift_right_arithmetic3A_107 = arith.shrsi %add3A_79, %shift_right_arithmetic3A_106 : vector<16xi32>
      %and3A_108 = arith.constant 127 : i32
      %and3A_109 = vector.broadcast %and3A_108 : i32 to vector<16xi32>
      %and3A_110 = arith.andi %add3A_79, %and3A_109 : vector<16xi32>
      tpu.vector_store_idx %arg11[%shift_right_arithmetic3A_107, %and3A_110], %mul3A_100 masked %lt3A_70 {add = true} : memref<128x128xf32, #tpu.memory_space<vmem>>[vector<16xi32>, vector<16xi32>], vector<16xf32>, vector<16xi1>
    } else {
    }
    "tpu.region"() ({
      %run_scoped3A = tpu.sem_alloc : memref<!tpu.dma_semaphore, #tpu.memory_space<semaphore_mem>>
      %dma_start3A_51 = arith.constant 0 : i32
      %dma_start3A_52 = arith.constant 0 : i32
      %dma_start3A_53 = tpu.memref_slice %arg16[%dma_start3A_51, %dma_start3A_52] : memref<128x128xf32, #tpu.memory_space<vmem_shared>> -> memref<128x128xf32, #tpu.memory_space<vmem_shared>>
      tpu.enqueue_indirect_dma source(%arg11 : memref<128x128xf32, #tpu.memory_space<vmem>>) target(%dma_start3A_53 : memref<128x128xf32, #tpu.memory_space<vmem_shared>>) offsets(%arg12 : memref<128xi32, #tpu.memory_space<vmem>>) semaphore(%run_scoped3A : memref<!tpu.dma_semaphore, #tpu.memory_space<semaphore_mem>>) {add = true}
      %dma_wait3A_54 = arith.constant 0 : i32
      %dma_wait3A_55 = arith.constant 0 : i32
      %dma_wait3A_56 = tpu.memref_slice %arg16[%dma_wait3A_54, %dma_wait3A_55] : memref<128x128xf32, #tpu.memory_space<vmem_shared>> -> memref<128x128xf32, #tpu.memory_space<vmem_shared>>
      tpu.wait_indirect_dma semaphore(%run_scoped3A : memref<!tpu.dma_semaphore, #tpu.memory_space<semaphore_mem>>) src(%arg11 : memref<128x128xf32, #tpu.memory_space<vmem>>) dst(%dma_wait3A_56 : memref<128x128xf32, #tpu.memory_space<vmem_shared>>)
      tpu.yield
    }) : () -> ()
    %barrier3A_45 = arith.constant 0 : index
    tpu.barrier barrier_id(%barrier3A_45)
    %eq3A_46 = arith.constant 0 : i32
    %eq3A_47 = arith.cmpi eq, %arg1, %eq3A_46 : i32
    %convert_element_type3A_48 = arith.extui %eq3A_47 : i1 to i32
    %cond3A_49 = arith.constant 0 : i32
    %cond3A_50 = arith.cmpi ne, %convert_element_type3A_48, %cond3A_49 : i32
    scf.if %cond3A_50 {
      "tpu.region"() ({
        %run_scoped3A = tpu.sem_alloc : memref<!tpu.dma_semaphore, #tpu.memory_space<semaphore_mem>>
        %dma_start3A_51 = arith.constant 0 : i32
        %dma_start3A_52 = arith.constant 0 : i32
        %dma_start3A_53 = tpu.memref_slice %arg6[%arg0, %dma_start3A_51, %dma_start3A_52] : memref<2x128x128xf32, #tpu.memory_space<hbm>> -> memref<1x128x128xf32, #tpu.memory_space<hbm>>
        %dma_start3A_54 = tpu.memref_squeeze %dma_start3A_53 : memref<1x128x128xf32, #tpu.memory_space<hbm>> -> memref<128x128xf32, #tpu.memory_space<hbm>>
        tpu.enqueue_dma source(%arg16 : memref<128x128xf32, #tpu.memory_space<vmem_shared>>) target(%dma_start3A_54 : memref<128x128xf32, #tpu.memory_space<hbm>>) target_semaphore(%run_scoped3A : memref<!tpu.dma_semaphore, #tpu.memory_space<semaphore_mem>>)
        %dma_wait3A_55 = arith.constant 0 : i32
        %dma_wait3A_56 = arith.constant 0 : i32
        %dma_wait3A_57 = tpu.memref_slice %arg6[%arg0, %dma_wait3A_55, %dma_wait3A_56] : memref<2x128x128xf32, #tpu.memory_space<hbm>> -> memref<1x128x128xf32, #tpu.memory_space<hbm>>
        %dma_wait3A_58 = tpu.memref_squeeze %dma_wait3A_57 : memref<1x128x128xf32, #tpu.memory_space<hbm>> -> memref<128x128xf32, #tpu.memory_space<hbm>>
        tpu.wait_dma2 semaphore(%run_scoped3A : memref<!tpu.dma_semaphore, #tpu.memory_space<semaphore_mem>>) src(%arg16 : memref<128x128xf32, #tpu.memory_space<vmem_shared>>) dst(%dma_wait3A_58 : memref<128x128xf32, #tpu.memory_space<hbm>>)
        tpu.yield
      }) : () -> ()
    } else {
    }
    return
  }
}

module attributes {stable_mosaic.version = 14 : i64} {
  func.func @_combine(%arg0: memref<2x128x128xf32, #tpu.memory_space<vmem>>, %arg1: memref<128x128xf32, #tpu.memory_space<vmem>>) attributes {dimension_semantics = [], scalar_prefetch = 0 : i64, scratch_operands = 0 : i64, tpu.core_type = #tpu.core_type<tc>} {
    %get3A = arith.constant 0 : index
    %get3A_0 = arith.constant 0 : index
    %get3A_1 = arith.constant 0 : index
    %get3A_2 = vector.load %arg0[%get3A, %get3A_0, %get3A_1] : memref<2x128x128xf32, #tpu.memory_space<vmem>>, vector<1x128x128xf32>
    %get3A_3 = vector.shape_cast %get3A_2 : vector<1x128x128xf32> to vector<128x128xf32>
    %get3A_4 = arith.constant 1 : index
    %get3A_5 = arith.constant 0 : index
    %get3A_6 = arith.constant 0 : index
    %get3A_7 = vector.load %arg0[%get3A_4, %get3A_5, %get3A_6] : memref<2x128x128xf32, #tpu.memory_space<vmem>>, vector<1x128x128xf32>
    %get3A_8 = vector.shape_cast %get3A_7 : vector<1x128x128xf32> to vector<128x128xf32>
    %add3A = arith.addf %get3A_3, %get3A_8 : vector<128x128xf32>
    %swap3A = arith.constant 0 : index
    %swap3A_9 = arith.constant 0 : index
    %swap3A_10 = vector.load %arg1[%swap3A, %swap3A_9] : memref<128x128xf32, #tpu.memory_space<vmem>>, vector<128x128xf32>
    tpu.vector_store %arg1[%swap3A, %swap3A_9], %add3A {strides = array<i32>} : memref<128x128xf32, #tpu.memory_space<vmem>>, vector<128x128xf32>,
    return
  }
}

</mosaic_0001>

<sc_bundles>
// kernel: kernel.4.cloned.1.call-start
scs
__scs_entry_jumppad:
0x0: {  	(pc) =	sbr.rel $0x88, $3  }
0x1: {  	(tag) =	ssettag $0x0;
	lr =	simm.s32 $0x1  }
0x2: {  	[smem:$0x3F9E] =	sst lr;
	_ =	strace $0xD0000000  }
0x3: {  	_ = 	snop  }
0x4: {  	_ = 	snop  }
0x5: {  	_ = 	snop  }
0x6: {  	_ = 	snop  }
0x7: {  	_ = 	snop  }
__scs_overlays_trampoline_lowered:
0x8: {  	[smem:$0x3FAD] =	sst s0  }
0x9: {  	[smem:$0x3FAE] =	sst s1  }
0xa: {  	[smem:$0x3FAF] =	sst s2  }
0xb: {  	[smem:$0x3FB0] =	sst s3  }
0xc: {  	[smem:$0x3FB1] =	sst s4  }
0xd: {  	[smem:$0x3FB2] =	sst s5  }
0xe: {  	[smem:$0x3FB3] =	sst s6  }
0xf: {  	[smem:$0x3FB4] =	sst s7  }
0x10: {  	[smem:$0x3FB5] =	sst s8  }
0x11: {  	[smem:$0x3FB6] =	sst s9;
	s0 =	simm.s32 @!p0 $0x0  }
0x12: {  	s1 =	sld [smem:$0x3F9C];
	s0 =	simm.s32 @p0 $0x1  }
0x13: {  	[smem:$0x3FB7] =	sst s0;
	s0 =	simm.s32 @!p1 $0x0  }
0x14: {  	s2 =	sld [smem:$0x3F9B];
	s0 =	simm.s32 @p1 $0x1  }
0x15: {  	[smem:$0x3FB8] =	sst s0;
	s0 =	simm.s32 @!p2 $0x0  }
0x16: {  	s3 =	sld [smem:$0x3FDB];
	s0 =	simm.s32 @p2 $0x1  }
0x17: {  	s4 =	simm.s32 $0x1BF5;
	[smem:$0x3FBA] =	sst s0  }
0x18: {  	s0 =	sld [smem:$0x3F9D];
	_ =	swait.ge [sflag:s4], $0x0  }
0x19: {  	s7 =	sld [smem:$0x3F9E]  }
0x1a: {  	s8 =	sadd.s32 $0xFFFFE003, lr  }
0x1b: {  	s9 =	sadd.s32 $0xFFFFFEF7, lr;
	s5 =	simm.s32 $0xFFFFFFFF;
	p2 =	slt.u32 s8, $0xFFFFF086  }
0x1c: {  	p1 =	slt.u32 s9, $0xF7A;
	s5 =	simm.s32 @!p2 $0x0  }
0x1d: {  	s5 =	simm.s32 @p1 $0x1;
	p0 =	seq.s32 s7, s2  }
0x1e: {  	s7 =	smul.u32 @!p0 $0xF7A, s2;
	p2 =	seq.s32 @!p0 s5, $0x0  }
0x1f: {  	s9 =	smul.u32 $0xF7A, s1;
	s8 =	simm.s32 @!p0 $0x1BF5;
	p2 =	por !p2, p0  }
0x20: {  	[sflag:s8] =	ssyncset.s32 @!p0 $0xFFFFF086;
	s6 =	sadd.s32 @!p0 s3, s7;
	s7 =	simm.s32 @!p0 $0x108  }
0x21: {  	s3 =	sadd.s32 s3, s9;
	s6 =	sadd.s32 @!p0 $0x88, s6;
	s7 =	simm.s32 @p2 $0x1082  }
0x22: {  	[simem:s7], [sflag:s8] =	dma.local @!p0 [hbm:s6], $0xF7A  }
0x23: {  	s9 =	sor.u32 $0xD0000000, s2;
	s6 =	simm.s32 $0x108;
	_ =	swait.ge @!p0 [sflag:s8], $0x0  }
0x24: {  	s3 =	sadd.s32 $0x88, s3;
	s6 =	simm.s32 @!p1 $0x1082;
	[sflag:s4] =	ssyncset.s32 $0xFFFFF086  }
0x25: {  	[simem:s6], [sflag:s4] =	dma.local [hbm:s3], $0xF7A  }
0x26: {  	[smem:$0x3F9E] =	sst s1;
	(tag) =	ssettag s2;
	_ =	strace s9  }
0x27: {  	s1 =	sld [smem:$0x3FAE]  }
0x28: {  	s2 =	sld [smem:$0x3FAF]  }
0x29: {  	s4 =	sld [smem:$0x3FB1]  }
0x2a: {  	p0 =	seq.s32 s5, $0x0;
	s5 =	sld [smem:$0x3FB2]  }
0x2b: {  	s6 =	sld [smem:$0x3FB3]  }
0x2c: {  	s7 =	sld [smem:$0x3FB4]  }
0x2d: {  	s3 =	simm.s32 $0x108;
	s8 =	sld [smem:$0x3FB5]  }
0x2e: {  	s3 =	simm.s32 @!p0 $0x1082;
	s9 =	sld [smem:$0x3FB6]  }
0x2f: {  	lr =	sadd.s32 s0, s3;
	s0 =	sld [smem:$0x3FAD]  }
0x30: {  	s3 =	sld [smem:$0x3FB0]  }
0x31: {  	[smem:$0x3FB9] =	sst s10  }
0x32: {  	s10 =	sld [smem:$0x3FB7];
	_ =	sdelay $0x3  }
0x33: {  	p0 =	seq.s32 s10, $0x1;
	s10 =	sld [smem:$0x3FB9];
	_ =	sdelay $0x3  }
0x34: {  	[smem:$0x3FB9] =	sst s10  }
0x35: {  	s10 =	sld [smem:$0x3FB8];
	_ =	sdelay $0x3  }
0x36: {  	p1 =	seq.s32 s10, $0x1;
	s10 =	sld [smem:$0x3FB9];
	_ =	sdelay $0x3  }
0x37: {  	[smem:$0x3FB9] =	sst s10  }
0x38: {  	s10 =	sld [smem:$0x3FBA]  }
0x39: {  	_ = 	snop;
	(pc) =	sbr.ind lr, $3  }
0x3a: {  	_ = 	snop  }
0x3b: {  	_ = 	snop  }
0x3c: {  	p2 =	seq.s32 s10, $0x1;
	s10 =	sld [smem:$0x3FB9]  }
0x3d: {  	_ =	shalt  }
0x3e: {  	_ =	shalt  }
0x3f: {  	_ =	shalt  }
0x40: {  	_ =	shalt  }
0x41: {  	_ =	shalt  }
0x42: {  	_ =	shalt  }
0x43: {  	_ =	shalt  }
0x44: {  	_ =	shalt  }
0x45: {  	_ =	shalt  }
0x46: {  	_ =	shalt  }
0x47: {  	_ =	shalt  }
0x48: {  	_ =	shalt  }
0x49: {  	_ =	shalt  }
0x4a: {  	_ =	shalt  }
0x4b: {  	_ =	shalt  }
0x4c: {  	_ =	shalt  }
0x4d: {  	_ =	shalt  }
0x4e: {  	_ =	shalt  }
0x4f: {  	_ =	shalt  }
0x50: {  	_ =	shalt  }
0x51: {  	_ =	shalt  }
0x52: {  	_ =	shalt  }
0x53: {  	_ =	shalt  }
0x54: {  	_ =	shalt  }
0x55: {  	_ =	shalt  }
0x56: {  	_ =	shalt  }
0x57: {  	_ =	shalt  }
0x58: {  	_ =	shalt  }
0x59: {  	_ =	shalt  }
0x5a: {  	_ =	shalt  }
0x5b: {  	_ =	shalt  }
0x5c: {  	_ =	shalt  }
0x5d: {  	_ =	shalt  }
0x5e: {  	_ =	shalt  }
0x5f: {  	_ =	shalt  }
0x60: {  	_ =	shalt  }
0x61: {  	_ =	shalt  }
0x62: {  	_ =	shalt  }
0x63: {  	_ =	shalt  }
0x64: {  	_ =	shalt  }
0x65: {  	_ =	shalt  }
0x66: {  	_ =	shalt  }
0x67: {  	_ =	shalt  }
0x68: {  	_ =	shalt  }
0x69: {  	_ =	shalt  }
0x6a: {  	_ =	shalt  }
0x6b: {  	_ =	shalt  }
0x6c: {  	_ =	shalt  }
0x6d: {  	_ =	shalt  }
0x6e: {  	_ =	shalt  }
0x6f: {  	_ =	shalt  }
0x70: {  	_ =	shalt  }
0x71: {  	_ =	shalt  }
0x72: {  	_ =	shalt  }
0x73: {  	_ =	shalt  }
0x74: {  	_ =	shalt  }
0x75: {  	_ =	shalt  }
0x76: {  	_ =	shalt  }
0x77: {  	_ =	shalt  }
0x78: {  	_ =	shalt  }
0x79: {  	_ =	shalt  }
0x7a: {  	_ =	shalt  }
0x7b: {  	_ =	shalt  }
0x7c: {  	_ =	shalt  }
0x7d: {  	_ =	shalt  }
0x7e: {  	_ =	shalt  }
0x7f: {  	_ =	shalt  }
0x80: {  	_ =	shalt  }
0x81: {  	_ =	shalt  }
0x82: {  	_ =	shalt  }
0x83: {  	_ =	shalt  }
0x84: {  	_ =	shalt  }
0x85: {  	_ =	shalt  }
0x86: {  	_ =	shalt  }
0x87: {  	_ =	shalt  }
.Lfunc_end0:
.L_simem_size_0:
called_computation_lowered:
.L_overlay_start_0:
0x88: {  	s2 =	sld [smem:$0x3FD9]  }
0x89: {  	s3 =	sld [smem:$0x3FFE];
	_ =	sdelay $0x1  }
0x8a: {  	s1 =	srdreg.scid  }
0x8b: {  	s0 =	sand.u32 $0x1, s1  }
0x8c: {  	s17 =	sshll.u32 s0, $0xA;
	s2 =	sadd.s32 s3, s2  }
0x8d: {  	s2 =	sadd.s32 s2, s17  }
0x8e: {  	[smem:$0x3FC5] =	sst s2  }
0x8f: {  	_ = 	snop  }
0x90: {  	s2 =	sld [smem:$0x3FC9]  }
0x91: {  	s18 =	sld [smem:$0x3FC7];
	(tm) =	ssettm $0x1  }
0x92: {  	s4 =	sld [smem:$0x3FFB];
	_ =	sdelay $0x3  }
0x93: {  	_ =	strace s4  }
0x94: {  	s4 =	sld [smem:$0x3FFC];
	_ =	sdelay $0x3  }
0x95: {  	_ =	strace s4  }
0x96: {  	s4 =	sld [smem:$0x3FFD];
	_ =	sdelay $0x3  }
0x97: {  	_ =	strace s4  }
0x98: {  	_ =	strace $0x8FFFFFFF  }
0x99: {  	s19 =	sld [smem:$0x3FDB];
	_ =	sdelay $0x1  }
0x9a: {  	s5 =	simm.s32 $_scs_section_size  }
0x9b: {  	s6 =	simm.s32 $_size__tile_overlayer_lowered;
	s7 =	simm.s32 $_tile_overlayer_lowered  }
0x9c: {  	s22 =	simm.s32 $0x1BFF;
	s21 =	sshll.u32 s7, $0x1;
	s4 =	sadd.s32 s5, s19  }
0x9d: {  	s8 =	simm.s32 $0x0;
	s20 =	sshll.u32 s6, $0x1;
	s6 =	sadd.s32 s21, s4  }
0x9e: {  	[timem:s8], [sflag:s22] =	dma.local [hbm:s6], s20  }
0x9f: {  	_ =	swait.ge [sflag:s22], s20  }
0xa0: {  	s5 =	ssub.s32 $0x0, s20;
	[sflag:s22] =	ssyncset.done $0x0  }
0xa1: {  	[sflag:s22] =	ssyncadd.s32 s5;
	_ =	sdelay $0x1  }
0xa2: {  	s23 =	simm.s32 $0x1B8B  }
0xa3: {  	_ =	swait.ge [sflag:s23], $0x1  }
0xa4: {  	[sflag:s23] =	ssyncset.done $0x0  }
0xa5: {  	s25 =	simm.s32 $0x1B8E;
	s24 =	sld [smem:$0x3FFE];
	[sflag:s23] =	ssyncadd.s32 $0xFFFFFFFF  }
0xa6: {  	s26 =	simm.s32 $execute0_lowered;
	[smem:$0x3FD2] =	sst s25  }
0xa7: {  	s6 =	sshll.u32 s26, $0x1;
	_ =	strace $0x80000046;
	[dreg:$0x1] =	wrdreg $0xFFFFFFFF  }
0xa8: {  	s28 =	simm.s32 $_size_execute0_lowered;
	s4 =	sadd.s32 s4, s6;
	[dreg:$0x0] =	wrdreg $0x0  }
0xa9: {  	s6 =	sshll.u32 s28, $0x1;
	[dreg:$0x2] =	wrdreg s4  }
0xaa: {  	[dreg:$0x3] =	wrdreg s6  }
0xab: {  	[dreg:$0x4] =	wrdreg $0xC0  }
0xac: {  	_ =	task [dreg:s8], $0x5FFFF  }
0xad: {  	[dreg:$0x1] =	wrdreg $0xFFFFFFFF  }
0xae: {  	[dreg:$0x0] =	wrdreg $0x60  }
0xaf: {  	[dreg:$0x2] =	wrdreg s24  }
0xb0: {  	[dreg:$0x3] =	wrdreg s18  }
0xb1: {  	[dreg:$0x4] =	wrdreg s2  }
0xb2: {  	[dreg:$0x5] =	wrdreg $0xE5000  }
0xb3: {  	[dreg:$0x6] =	wrdreg $0x9  }
0xb4: {  	_ =	task.clear_ibuf [dreg:s8], $0x7FFFF;
	_ =	strace $0x90000046  }
0xb5: {  	s29 =	simm.s32 $0x9;
	_ =	strace $0x80000048  }
0xb6: {  	_ =	swait.ge [sflag:s29], $0x1  }
0xb7: {  	[sflag:s29] =	ssyncadd.s32 $0xFFFFFFFF  }
0xb8: {  	_ =	strace $0x90000048  }
0xb9: {  	_ =	sfence  }
0xba: {  	s30 =	sld [smem:$0x0];
	_ =	sdelay $0x2  }
0xbb: {  	s31 =	sshll.u32 s1, $0xD;
	s1 =	sshrl.u32 s1, $0x2  }
0xbc: {  	s3 =	sand.u32 $0x4000, s31;
	s1 =	sadd.s32 s1, s30  }
0xbd: {  	s0 =	sor.u32 s3, s0;
	s1 =	sshll.u32 s1, $0x11  }
0xbe: {  	s0 =	sor.u32 s1, s0  }
0xbf: {  	s0 =	sadd.s32 $0x8F2B, s0  }
0xc0: {  	[sflag:s0] =	ssyncadd.remote.s32 $0x1  }
0xc1: {  	_ =	sfence.sel $0xFFFF  }
0xc2: {  	[dreg:$0x0] =	wrdreg $0xFFFFFFFF;
	(pc) =	sbr.abs _section_cstart, $3  }
0xc3: {  	[dreg:$0x1] =	wrdreg $0xFFFFFFFF  }
0xc4: {  	_ =	task.clear_ibuf [dreg:s8], $0x2FFFF;
	_ =	strace $0x9FFFFFFF  }
0xc5: {  	(tm) =	ssettm $0x7FFFFFFF  }
tec
execute0_lowered:
.L_overlay_start_1:
0x0: {  	(tag) =	ssettag $0x1  }
0x1: {  	s0 =	rddreg [dreg:$0x0]  }
0x2: {  	s1 =	srdreg.scid;
	s3 =	rddreg [dreg:$0x2]  }
0x3: {  	s15 =	stileid.u32;
	s4 =	rddreg [dreg:$0x3];
	s5 =	simm.s32 $0x0  }
0x4: {  	s14 =	simm.s32 $0x4200;
	s16 =	simm.s32 $0xA300;
	s18 =	simm.s32 $0xE300  }
0x5: {  	s19 =	simm.s32 $0x2;
	s7 =	sand.u32 $0x1, s1;
	s1 =	rddreg [dreg:$0x1]  }
0x6: {  	s20 =	simm.s32 $0x0;
	[smem:$0x7FF] =	sst s5;
	s2 =	sshll.u32 s7, $0x4  }
0x7: {  	p0 =	sne.s32 s15, $0x0;
	s11 =	ssub.s32 $0x2, s7;
	s17 =	sor.u32 s15, s2  }
0x8: {  	s7 =	sshll.u32 s7, $0xB;
	s2 =	rddreg [dreg:$0x4];
	s6 =	smul.u32 $0x20C8, s17  }
0x9: {  	v1 =	vlaneseq.u32;
	v11 =	vimm.s32 $0x0;
	_ =	strace $0x80000047;
	s31 =	sshrl.u32 s11, $0x1;
	s13 =	sadd.s32 s7, s0  }
0xa: {  	v3 =	vadd.s32 $0x20C1, v1;
	v4 =	vor.u32 $0x20C0, v1;
	v5 =	vor.u32 $0x20, v1;
	s15 =	simm.s32 $0x1;
	s8 =	smin.u32 s6, $0x3F7C0;
	s9 =	smin.u32 s6, $0x3F7C8  }
0xb: {  	v6 =	vor.u32 $0x30, v1;
	v7 =	vor.u32 $0x40, v1;
	v8 =	vor.u32 $0x50, v1;
	s11 =	ssub.s32 s11, s31;
	p1 =	sne.s32 s17, $0x0;
	s9 =	ssub.s32 s9, s8  }
0xc: {  	v9 =	vor.u32 $0x60, v1;
	v10 =	vor.u32 $0x70, v1;
	s17 =	simm.s32 $0x80;
	vm2 =	vcmask @!p1 $0x704;
	s10 =	ssub.s32 s6, s8;
	s9 =	sadd.s32 $0x20C8, s9  }
0xd: {  	s11 =	smax.u32 s11, $0x1;
	vm3 =	vmmov @!p1 $0xffff;
	s6 =	sadd.s32 $0x8400, s0;
	s12 =	sshrl.u32 s8, $0x3;
	v0 =	vmov s10;
	v2 =	vmov s9  }
0xe: {  	s7 =	sadd.s32 s6, s12;
	s8 =	sadd.s32 s0, s12;
	s10 =	sadd.s32 $0x10800, s13;
	vm0 =	vlt.u32 v0, v3;
	v3 =	vimm.f32 $0.0e+00;
	vm1 =	vgt.s32 v2, v4  }
0xf: {  	s13 =	simm.s32 $0x2100;
	s9 =	sadd.s32 s1, s12;
	s12 =	simm.s32 $0x6300;
	v4 =	vor.u32 $0x10, v1;
	vm0 =	vmand vm0, vm1;
	vm1 =	vcmask @!p1 $0x300  }
.LBB2_1:
0x10: {  	[tilespmem:s12], [sflag:$0x1] =	stream.linear.gather [hbm4b:s3+s5], $0x4000, $0x38;
	[tilespmem:$0xE900] =	vst v63  }
0x11: {  	_ = 	snop  }
0x12: {  	[tilespmem:s5], [sflag:$0x1] =	stream.linear.gather [hbm4b:s7+s5], $0x20D0, $0x38;
	[tilespmem:$0xE900] =	vst v63  }
0x13: {  	_ = 	snop  }
0x14: {  	[tilespmem:s13], [sflag:$0x1] =	stream.linear.gather [hbm4b:s8+s5], $0x20D0, $0x38;
	[tilespmem:$0xE900] =	vst v63  }
0x15: {  	s21 =	simm.s32 $0xA340  }
0x16: {  	[tilespmem:s14], [sflag:$0x1] =	stream.linear.gather [hbm4b:s9+s5], $0x20D0, $0x38;
	[tilespmem:$0xE900] =	vst v63  }
0x17: {  	[tilespmem:s21+$0xFFFFFFC0] =	vst v3  }
0x18: {  	[tilespmem:s21+$0x30] =	vst v3  }
0x19: {  	[tilespmem:s21+$0x20] =	vst v3  }
0x1a: {  	[tilespmem:s21+$0x10] =	vst v3  }
0x1b: {  	[tilespmem:s21+$0x0] =	vst v3  }
0x1c: {  	[tilespmem:s21+$0xFFFFFFF0] =	vst v3  }
0x1d: {  	s22 =	simm.s32 $0x0;
	[tilespmem:s21+$0xFFFFFFE0] =	vst v3  }
.LBB2_2:
0x1e: {  	s22 =	sadd.s32 $0x8, s22;
	[tilespmem:s21+$0xFFFFFFD0] =	vst v3;
	s21 =	sadd.s32 $0x80, s21  }
0x1f: {  	[tilespmem:s21+$0xFFFFFFC0] =	vst v3;
	p2 =	slt.u32 s22, $0x3F8  }
0x20: {  	[tilespmem:s21+$0x30] =	vst v3  }
.Ltmp0:
0x21: {  	[tilespmem:s21+$0x20] =	vst v3;
	(pc) =	sbr.rel @p2 .LBB2_2-.Ltmp0, $4  }
0x22: {  	[tilespmem:s21+$0x10] =	vst v3  }
0x23: {  	[tilespmem:s21+$0x0] =	vst v3  }
0x24: {  	[tilespmem:s21+$0xFFFFFFF0] =	vst v3  }
0x25: {  	[tilespmem:s21+$0xFFFFFFE0] =	vst v3  }
0x26: {  	[tilespmem:s21+$0xFFFFFFD0] =	vst v3  }
0x27: {  	[tilespmem:$0xE300] =	vst v1  }
0x28: {  	[tilespmem:$0xE310] =	vst v4  }
0x29: {  	[tilespmem:$0xE320] =	vst v5  }
0x2a: {  	[tilespmem:$0xE330] =	vst v6  }
0x2b: {  	[tilespmem:$0xE340] =	vst v7  }
0x2c: {  	[tilespmem:$0xE350] =	vst v8  }
0x2d: {  	[tilespmem:$0xE360] =	vst v9  }
0x2e: {  	s21 =	simm.s32 @!p0 $0xA300;
	[tilespmem:$0xE370] =	vst v10  }
0x2f: {  	[spmem:s4] =	stream.linear.scatter @!p0 [tilespmem:s21], [sflag:$0x2], $0x4000, $0x38;
	[tilespmem:$0xE900] =	vst v63  }
0x30: {  	s21 =	simm.s32 @!p0 $0x2  }
0x31: {  	_ =	swait.ge @!p0 [sflag:s21], $0x4000  }
0x32: {  	[sflag:s21] =	ssyncset.done @!p0 $0x0  }
0x33: {  	[sflag:s21] =	ssyncadd.s32 @!p0 $0xFFFFC000  }
0x34: {  	_ =	swait.ge [sflag:s15], $0x4000  }
0x35: {  	[sflag:s15] =	ssyncset.done $0x0  }
0x36: {  	[sflag:s15] =	ssyncadd.s32 $0xFFFFC000  }
0x37: {  	_ =	swait.ge [sflag:s15], $0x20D0  }
0x38: {  	[sflag:s15] =	ssyncset.done $0x0  }
0x39: {  	[sflag:s15] =	ssyncadd.s32 $0xFFFFDF30  }
0x3a: {  	_ =	swait.ge [sflag:s15], $0x20D0  }
0x3b: {  	[sflag:s15] =	ssyncset.done $0x0  }
0x3c: {  	[sflag:s15] =	ssyncadd.s32 $0xFFFFDF30  }
0x3d: {  	_ =	swait.ge [sflag:s15], $0x20D0  }
0x3e: {  	[sflag:s15] =	ssyncset.done $0x0  }
0x3f: {  	[sflag:s15] =	ssyncadd.s32 $0xFFFFDF30  }
0x40: {  	s30 =	simm.s32 $0x2120;
	[bflag:$0x0] =	sbarrier.arrive $0xFFFF  }
0x41: {  	v12 =	vld [tilespmem:s30+$0x10];
	_ =	sdelay $0x2  }
0x42: {  	s22 =	simm.s32 $0x30;
	s31 =	simm.s32 $0x10  }
0x43: {  	s23 =	simm.s32 $0x20;
	v21 =	vor.u32 s22, v1;
	v25 =	vor.u32 s31, v1;
	v14 =	vld [tilespmem:s30+$0xFFFFFFF0]  }
0x44: {  	v27 =	vor.u32 s23, v1;
	vm4 =	vge.u32 v21, v0;
	v15 =	vld [tilespmem:s30+$0x0];
	v16 =	vtrunc.f32 v12  }
0x45: {  	vm5 =	vlt.s32 v21, v2;
	vm10 =	vge.u32 v27, v0;
	v16 =	vcvt.f32.s32 v16  }
0x46: {  	vm13 =	vlt.s32 v27, v2;
	vm7 =	vmand vm4, vm5;
	vm4 =	vge.u32 v25, v0;
	v13 =	vld [tilespmem:s30+$0xFFFFFFE0]  }
0x47: {  	s22 =	simm.s32 $0x20;
	vm5 =	vlt.s32 v25, v2;
	vm10 =	vmand vm10, vm13;
	s21 =	simm.s32 $0x0;
	v22 =	vcvt.s32.f32 v16  }
0x48: {  	vm4 =	vmand vm4, vm5;
	v18 =	vor.u32 s21, v1;
	v29 =	vld [tilespmem:s22+$0x10];
	v19 =	vtrunc.f32 v14  }
0x49: {  	v20 =	vtrunc.f32 v15;
	v19 =	vcvt.f32.s32 v19;
	vm11 =	vgt.f32 v12, v22  }
0x4a: {  	vm12 =	vge.u32 v18, v0;
	v31 =	vld [tilespmem:s22+$0xFFFFFFE0];
	v20 =	vcvt.f32.s32 v20;
	v24 =	vsel vm11, $0x1, v11  }
0x4b: {  	v17 =	vtrunc.f32 v13;
	v23 =	vcvt.s32.f32 v19;
	v24 =	vadd.s32 v16, v24  }
0x4c: {  	vm14 =	vlt.s32 v18, v2;
	v17 =	vcvt.f32.s32 v17;
	v26 =	vcvt.s32.f32 v20  }
0x4d: {  	vm5 =	vmand vm12, vm14;
	v56 =	vtrunc.f32 v29;
	vm9 =	vgt.f32 v14, v23  }
0x4e: {  	v55 =	vld [tilespmem:s22+$0xFFFFFFF0];
	v21 =	vcvt.s32.f32 v17;
	vm8 =	vgt.f32 v15, v26;
	v30 =	vsel vm9, $0x1, v11  }
0x4f: {  	v57 =	vtrunc.f32 v31;
	v25 =	vsel vm8, $0x1, v11;
	v16 =	vld.idx.msk [tilespmem:v16+s12+$0x0], vm7;
	v27 =	vadd.s32 v19, v30  }
0x50: {  	s23 =	simm.s32 $0x4220;
	vm6 =	vgt.f32 v13, v21;
	v12 =	vsub.f32 v12, v22;
	v25 =	vadd.s32 v20, v25;
	v24 =	vld.idx.msk [tilespmem:v24+s12+$0x0], vm7  }
0x51: {  	v32 =	vld [tilespmem:s23+$0x10];
	v13 =	vsub.f32 v13, v21;
	v21 =	vcvt.f32.s32 v56;
	v28 =	vsel vm6, $0x1, v11  }
0x52: {  	v22 =	vld [tilespmem:s22+$0x0];
	v23 =	vsub.f32 v14, v23;
	v26 =	vsub.f32 v15, v26;
	v18 =	vadd.s32 v17, v28  }
0x53: {  	v15 =	vcvt.f32.s32 v57;
	v14 =	vsub.f32 $1.000000000e+00, v12;
	v33 =	vcvt.s32.f32 v21;
	v19 =	vld.idx.msk [tilespmem:v19+s12+$0x0], vm4  }
0x54: {  	v12 =	vnsel vm11, $0x3F800000, v12;
	v34 =	vsub.f32 $1.000000000e+00, v23;
	v37 =	vsub.f32 $1.000000000e+00, v26;
	v27 =	vld.idx.msk [tilespmem:v27+s12+$0x0], vm4  }
0x55: {  	v23 =	vnsel vm9, $0x3F800000, v23;
	v14 =	vmul.f32 v14, v16;
	v25 =	vld.idx.msk [tilespmem:v25+s12+$0x0], vm10;
	v12 =	vmul.f32 v12, v24  }
0x56: {  	v17 =	vld.idx.msk [tilespmem:v17+s12+$0x0], vm5;
	v26 =	vnsel vm8, $0x3F800000, v26;
	v63 =	vcvt.s32.f32 v15;
	v36 =	vsub.f32 v29, v33  }
0x57: {  	vm11 =	vgt.f32 v29, v33;
	v35 =	vtrunc.f32 v22;
	v18 =	vld.idx.msk [tilespmem:v18+s12+$0x0], vm5;
	v12 =	vadd.f32 v12, v14  }
0x58: {  	v29 =	vsel vm11, $0x1, v11;
	v59 =	vsub.f32 $1.000000000e+00, v36;
	v16 =	vtrunc.f32 v55  }
0x59: {  	v24 =	vsub.f32 $1.000000000e+00, v13;
	v23 =	vmul.f32 v23, v27;
	v58 =	vmul.f32 v12, v32  }
0x5a: {  	v13 =	vnsel vm6, $0x3F800000, v13;
	v25 =	vmul.f32 v26, v25;
	v26 =	vmul.f32 v34, v19  }
0x5b: {  	v20 =	vld.idx.msk [tilespmem:v20+s12+$0x0], vm10;
	v14 =	vcvt.f32.s32 v16;
	v16 =	vadd.s32 v21, v29;
	v60 =	vmul.f32 v58, v59  }
0x5c: {  	v62 =	vld [tilespmem:s23+$0xFFFFFFE0];
	v13 =	vmul.f32 v13, v18;
	v17 =	vmul.f32 v24, v17  }
0x5d: {  	v61 =	vnsel vm11, $0x3F800000, v36;
	v12 =	vcvt.f32.s32 v35;
	[tilespmem:v21+s16+$0x0] =	vst.idx.add.f32.msk vm7, v60;
	v21 =	vcvt.s32.f32 v14  }
0x5e: {  	v19 =	vld [tilespmem:s23+$0xFFFFFFF0];
	v23 =	vadd.f32 v23, v26;
	v13 =	vadd.f32 v13, v17;
	v27 =	vmul.f32 v58, v61  }
0x5f: {  	v24 =	vcvt.s32.f32 v12;
	v18 =	vsub.f32 v55, v21;
	vm9 =	vgt.f32 v55, v21;
	v21 =	vld [tilespmem:s23+$0x0]  }
0x60: {  	vm6 =	vmmov vm10;
	[tilespmem:v16+s16+$0x0] =	vst.idx.add.f32.msk vm7, v27;
	v16 =	vsub.f32 v31, v63;
	v27 =	vmul.f32 v37, v20  }
0x61: {  	v17 =	vsub.f32 v22, v24;
	vm8 =	vgt.f32 v22, v24;
	vm7 =	vgt.f32 v31, v63  }
0x62: {  	s24 =	simm.s32 $0x0;
	s25 =	simm.s32 $0x2160;
	v20 =	vmul.f32 v13, v62;
	v22 =	vsub.f32 $1.000000000e+00, v16;
	v24 =	vadd.f32 v25, v27  }
.LBB2_4:
0x63: {  	v25 =	vld [tilespmem:s25+$0x10];
	v13 =	vmul.f32 v23, v19;
	v19 =	vsub.f32 $1.000000000e+00, v18;
	v23 =	vsub.f32 $1.000000000e+00, v17  }
0x64: {  	s24 =	sadd.s32 $0x4, s24;
	v16 =	vnsel vm7, $0x3F800000, v16;
	v18 =	vnsel vm9, $0x3F800000, v18;
	v26 =	vld [tilespmem:s25+$0xFFFFFFE0];
	v21 =	vmul.f32 v24, v21  }
0x65: {  	v17 =	vnsel vm8, $0x3F800000, v17;
	p2 =	slt.u32 s24, $0x208;
	v22 =	vmul.f32 v20, v22;
	v16 =	vmul.f32 v20, v16;
	v24 =	vld [tilespmem:s25+$0xFFFFFFF0]  }
0x66: {  	v27 =	vsel vm7, $0x1, v11;
	v19 =	vmul.f32 v13, v19;
	v18 =	vmul.f32 v13, v18;
	v20 =	vld [tilespmem:s25+$0x0]  }
0x67: {  	v23 =	vmul.f32 v21, v23;
	v13 =	vmul.f32 v21, v17;
	[tilespmem:v15+s16+$0x0] =	vst.idx.add.f32.msk vm5, v22;
	v22 =	vsel vm9, $0x1, v11  }
0x68: {  	v21 =	vsel vm8, $0x1, v11;
	v15 =	vadd.s32 v15, v27;
	v17 =	vtrunc.f32 v25;
	[tilespmem:v14+s16+$0x0] =	vst.idx.add.f32.msk vm4, v19  }
0x69: {  	s21 =	sadd.s32 $0x40, s21;
	v14 =	vadd.s32 v14, v22;
	v19 =	vtrunc.f32 v26;
	v17 =	vcvt.f32.s32 v17;
	[tilespmem:v12+s16+$0x0] =	vst.idx.add.f32.msk vm6, v23  }
0x6a: {  	s26 =	sadd.s32 $0x10, s21;
	s28 =	sadd.s32 $0x20, s21;
	s29 =	sadd.s32 $0x30, s21;
	v22 =	vor.u32 s21, v1;
	v19 =	vcvt.f32.s32 v19;
	v23 =	vtrunc.f32 v24  }
0x6b: {  	v28 =	vor.u32 s29, v1;
	v27 =	vtrunc.f32 v20;
	v29 =	vcvt.s32.f32 v17  }
0x6c: {  	vm7 =	vge.u32 v28, v0;
	vm8 =	vlt.s32 v28, v2;
	v23 =	vcvt.f32.s32 v23  }
0x6d: {  	vm7 =	vmand vm7, vm8;
	v27 =	vcvt.f32.s32 v27;
	vm12 =	vgt.f32 v25, v29;
	[tilespmem:v15+s16+$0x0] =	vst.idx.add.f32.msk vm5, v16  }
0x6e: {  	v15 =	vcvt.s32.f32 v19;
	v16 =	vcvt.s32.f32 v23;
	v28 =	vsel vm12, $0x1, v11;
	[tilespmem:v14+s16+$0x0] =	vst.idx.add.f32.msk vm4, v18  }
0x6f: {  	v14 =	vor.u32 s26, v1;
	v18 =	vcvt.s32.f32 v27;
	v28 =	vadd.s32 v17, v28  }
0x70: {  	s22 =	sadd.s32 $0x40, s22;
	v30 =	vor.u32 s28, v1;
	vm9 =	vgt.f32 v26, v15;
	vm8 =	vgt.f32 v24, v16  }
0x71: {  	v31 =	vsel vm9, $0x1, v11;
	v32 =	vsel vm8, $0x1, v11;
	vm10 =	vgt.f32 v20, v18;
	v33 =	vld [tilespmem:s22+$0x10]  }
0x72: {  	vm4 =	vge.u32 v14, v0;
	vm5 =	vlt.s32 v14, v2;
	v14 =	vsel vm10, $0x1, v11;
	v34 =	vld [tilespmem:s22+$0xFFFFFFE0]  }
0x73: {  	vm11 =	vge.u32 v30, v0;
	vm14 =	vlt.s32 v30, v2;
	vm13 =	vge.u32 v22, v0;
	v17 =	vld.idx.msk [tilespmem:v17+s12+$0x0], vm7  }
0x74: {  	vm15 =	vlt.s32 v22, v2;
	v22 =	vadd.s32 v19, v31;
	v30 =	vadd.s32 v23, v32;
	v28 =	vld.idx.msk [tilespmem:v28+s12+$0x0], vm7  }
0x75: {  	vm11 =	vmand vm11, vm14;
	vm4 =	vmand vm4, vm5;
	v32 =	vadd.s32 v27, v14;
	v31 =	vld [tilespmem:s22+$0xFFFFFFF0]  }
0x76: {  	v25 =	vsub.f32 v25, v29;
	vm5 =	vmand vm13, vm15;
	v35 =	vld [tilespmem:s22+$0x0];
	v14 =	vtrunc.f32 v33  }
0x77: {  	v26 =	vsub.f32 v26, v15;
	v16 =	vsub.f32 v24, v16;
	v24 =	vcvt.f32.s32 v14  }
0x78: {  	s23 =	sadd.s32 $0x40, s23;
	v15 =	vsub.f32 $1.000000000e+00, v25;
	v18 =	vsub.f32 v20, v18;
	v14 =	vtrunc.f32 v34  }
0x79: {  	v25 =	vnsel vm12, $0x3F800000, v25;
	v20 =	vsub.f32 $1.000000000e+00, v26;
	v29 =	vld [tilespmem:s23+$0x10];
	v36 =	vcvt.s32.f32 v24  }
0x7a: {  	v38 =	vsub.f32 $1.000000000e+00, v16;
	v15 =	vmul.f32 v15, v17;
	v17 =	vmul.f32 v25, v28;
	v37 =	vld [tilespmem:s23+$0xFFFFFFE0]  }
0x7b: {  	v39 =	vsub.f32 $1.000000000e+00, v18;
	v25 =	vtrunc.f32 v31;
	v28 =	vld.idx.msk [tilespmem:v30+s12+$0x0], vm4;
	v30 =	vtrunc.f32 v35  }
0x7c: {  	v40 =	vsub.f32 v33, v36;
	vm12 =	vgt.f32 v33, v36;
	v17 =	vadd.f32 v17, v15;
	v22 =	vld.idx.msk [tilespmem:v22+s12+$0x0], vm5  }
0x7d: {  	v15 =	vcvt.f32.s32 v14;
	v14 =	vcvt.f32.s32 v25;
	v25 =	vld.idx.msk [tilespmem:v32+s12+$0x0], vm11;
	v32 =	vsel vm12, $0x1, v11  }
0x7e: {  	v33 =	vld.idx.msk [tilespmem:v19+s12+$0x0], vm5;
	v32 =	vadd.s32 v24, v32;
	v17 =	vmul.f32 v17, v29;
	v19 =	vsub.f32 $1.000000000e+00, v40  }
0x7f: {  	v26 =	vnsel vm9, $0x3F800000, v26;
	v16 =	vnsel vm8, $0x3F800000, v16;
	v29 =	vcvt.f32.s32 v30;
	v23 =	vld.idx.msk [tilespmem:v23+s12+$0x0], vm4  }
0x80: {  	v18 =	vnsel vm10, $0x3F800000, v18;
	v36 =	vnsel vm12, $0x3F800000, v40;
	v27 =	vld.idx.msk [tilespmem:v27+s12+$0x0], vm11;
	v30 =	vmul.f32 v17, v19  }
0x81: {  	v28 =	vmul.f32 v16, v28;
	v16 =	vmul.f32 v17, v36;
	v36 =	vadd.s32 v12, v21;
	v12 =	vmovc v29;
	v19 =	vld [tilespmem:s23+$0xFFFFFFF0]  }
0x82: {  	vm10 =	vmmov vm6;
	v17 =	vcvt.s32.f32 v15;
	v22 =	vmul.f32 v26, v22;
	[tilespmem:v24+s16+$0x0] =	vst.idx.add.f32.msk vm7, v30  }
0x83: {  	vm6 =	vmmov vm11;
	v24 =	vcvt.s32.f32 v14;
	v25 =	vmul.f32 v18, v25;
	[tilespmem:v32+s16+$0x0] =	vst.idx.add.f32.msk vm7, v16  }
.Ltmp1:
0x84: {  	v26 =	vcvt.s32.f32 v12;
	v16 =	vsub.f32 v34, v17;
	v20 =	vmul.f32 v20, v33;
	v21 =	vld [tilespmem:s23+$0x0];
	(pc) =	sbr.rel @p2 .LBB2_4-.Ltmp1, $4  }
0x85: {  	vm7 =	vgt.f32 v34, v17;
	v18 =	vsub.f32 v31, v24;
	v23 =	vmul.f32 v38, v23  }
0x86: {  	v17 =	vsub.f32 v35, v26;
	v20 =	vadd.f32 v22, v20;
	v27 =	vmul.f32 v39, v27  }
0x87: {  	vm8 =	vgt.f32 v35, v26;
	vm9 =	vgt.f32 v31, v24;
	v23 =	vadd.f32 v28, v23  }
0x88: {  	s25 =	sadd.s32 $0x40, s25;
	v22 =	vsub.f32 $1.000000000e+00, v16;
	v20 =	vmul.f32 v20, v37;
	v24 =	vadd.f32 v25, v27;
	[tilespmem:v36+s16+$0x0] =	vst.idx.add.f32.msk vm10, v13  }
0x89: {  	_ = 	snop  }
0x8a: {  	v13 =	vmul.f32 v23, v19;
	v44 =	vsub.f32 $1.000000000e+00, v18  }
0x8b: {  	v45 =	vsub.f32 $1.000000000e+00, v17;
	v46 =	vsel vm7, $0x1, v11;
	v25 =	vsel vm9, $0x1, v11  }
0x8c: {  	v21 =	vmul.f32 v24, v21;
	v22 =	vmul.f32 v20, v22;
	v24 =	vadd.s32 v15, v46  }
0x8d: {  	v26 =	vsel vm8, $0x1, v11;
	v25 =	vadd.s32 v14, v25;
	v19 =	vmul.f32 v13, v44  }
0x8e: {  	v16 =	vnsel vm7, $0x3F800000, v16;
	v48 =	vadd.s32 v12, v26;
	[tilespmem:v15+s16+$0x0] =	vst.idx.add.f32.msk vm5, v22;
	v47 =	vmul.f32 v21, v45  }
0x8f: {  	v49 =	vnsel vm9, $0x3F800000, v18;
	v16 =	vmul.f32 v20, v16;
	[tilespmem:v14+s16+$0x0] =	vst.idx.add.f32.msk vm4, v19  }
0x90: {  	v50 =	vnsel vm8, $0x3F800000, v17;
	v13 =	vmul.f32 v13, v49;
	[tilespmem:v12+s16+$0x0] =	vst.idx.add.f32.msk vm6, v47  }
0x91: {  	v51 =	vmul.f32 v21, v50;
	[tilespmem:v24+s16+$0x0] =	vst.idx.add.f32.msk vm5, v16  }
0x92: {  	[tilespmem:v25+s16+$0x0] =	vst.idx.add.f32.msk vm4, v13  }
0x93: {  	[tilespmem:v48+s16+$0x0] =	vst.idx.add.f32.msk vm6, v51  }
0x94: {  	v12 =	vld [tilespmem:$0x41C0];
	_ =	sdelay $0x4  }
0x95: {  	v52 =	vtrunc.f32 v12  }
0x96: {  	v13 =	vcvt.f32.s32 v52;
	_ =	sdelay $0x1  }
0x97: {  	v53 =	vcvt.s32.f32 v13;
	_ =	sdelay $0x1  }
0x98: {  	vm4 =	vgt.f32 v12, v53  }
0x99: {  	v54 =	vsel vm4, $0x1, v11  }
0x9a: {  	v15 =	vadd.s32 v13, v54  }
0x9b: {  	v16 =	vld [tilespmem:$0x20C0];
	_ =	sdelay $0x2  }
0x9c: {  	v13 =	vld.idx.msk [tilespmem:v13+s12+$0x0], vm0  }
0x9d: {  	v15 =	vld.idx.msk [tilespmem:v15+s12+$0x0], vm0  }
0x9e: {  	v55 =	vtrunc.f32 v16;
	v12 =	vsub.f32 v12, v53  }
0x9f: {  	v56 =	vcvt.f32.s32 v55  }
0xa0: {  	v57 =	vsub.f32 $1.000000000e+00, v12  }
0xa1: {  	v58 =	vld [tilespmem:$0x62C0];
	v59 =	vcvt.s32.f32 v56;
	v12 =	vnsel vm4, $0x3F800000, v12  }
0xa2: {  	v13 =	vmul.f32 v57, v13;
	v12 =	vmul.f32 v12, v15  }
0xa3: {  	v60 =	vsub.f32 v16, v59  }
0xa4: {  	vm4 =	vgt.f32 v16, v59;
	v12 =	vadd.f32 v12, v13  }
0xa5: {  	v16 =	vimm.s32 @!p1 $0x41892;
	v63 =	vsub.f32 $1.000000000e+00, v60;
	v61 =	vsel vm4, $0x1, v11  }
0xa6: {  	v16 =	vsel @!p1 vm1, $0x41890, v16;
	v62 =	vadd.s32 v56, v61;
	v12 =	vmul.f32 v12, v58  }
0xa7: {  	v16 =	vsel @!p1 vm2, $0x41891, v16  }
0xa8: {  	v15 =	vnsel vm4, $0x3F800000, v60;
	v17 =	vmul.f32 v12, v63  }
0xa9: {  	v12 =	vmul.f32 v12, v15  }
0xaa: {  	[tilespmem:v56+s16+$0x0] =	vst.idx.add.f32.msk vm0, v17  }
0xab: {  	s21 =	simm.s32 @!p1 $0x0;
	s22 =	simm.s32 @!p1 $0xE380;
	[tilespmem:v62+s16+$0x0] =	vst.idx.add.f32.msk vm0, v12  }
0xac: {  	[tilespmem:s22], [sflag:$0x1] =	stream.indirect_vreg.gather @!p1 [hbm4b:s6+s21], $0x1, v16, vm3, $0xb8;
	[tilespmem:$0xE900] =	vst v63  }
0xad: {  	s22 =	simm.s32 @!p1 $0x1  }
0xae: {  	_ =	swait.ge @!p1 [sflag:s22], $0x10  }
0xaf: {  	[sflag:s22] =	ssyncset.done @!p1 $0x0  }
0xb0: {  	s23 =	simm.s32 @!p1 $0xE400;
	[sflag:s22] =	ssyncadd.s32 @!p1 $0xFFFFFFF0  }
0xb1: {  	[tilespmem:s23], [sflag:$0x1] =	stream.indirect_vreg.gather @!p1 [hbm4b:s0+s21], $0x1, v16, vm3, $0xb8;
	[tilespmem:$0xE900] =	vst v63  }
0xb2: {  	_ =	swait.ge @!p1 [sflag:s22], $0x10  }
0xb3: {  	[sflag:s22] =	ssyncset.done @!p1 $0x0  }
0xb4: {  	s23 =	simm.s32 @!p1 $0xE480;
	[sflag:s22] =	ssyncadd.s32 @!p1 $0xFFFFFFF0  }
0xb5: {  	[tilespmem:s23], [sflag:$0x1] =	stream.indirect_vreg.gather @!p1 [hbm4b:s1+s21], $0x1, v16, vm3, $0xb8;
	[tilespmem:$0xE900] =	vst v63  }
0xb6: {  	_ =	swait.ge @!p1 [sflag:s22], $0x10  }
0xb7: {  	[sflag:s22] =	ssyncset.done @!p1 $0x0  }
0xb8: {  	[sflag:s22] =	ssyncadd.s32 @!p1 $0xFFFFFFF0  }
0xb9: {  	v12 =	vld @!p1 [tilespmem:$0xE400];
	_ =	sdelay $0x4  }
0xba: {  	v13 =	vtrunc.f32 @!p1 v12  }
0xbb: {  	v13 =	vcvt.f32.s32 @!p1 v13;
	_ =	sdelay $0x1  }
0xbc: {  	v14 =	vcvt.s32.f32 @!p1 v13;
	_ =	sdelay $0x1  }
0xbd: {  	v15 =	vimm.s32 @!p1 $0x0;
	vm4 =	vgt.f32 @!p1 v12, v14  }
0xbe: {  	v16 =	vsel @!p1 vm4, $0x1, v15  }
0xbf: {  	v16 =	vadd.s32 @!p1 v13, v16  }
0xc0: {  	v17 =	vld @!p1 [tilespmem:$0xE380];
	_ =	sdelay $0x1  }
0xc1: {  	s21 =	simm.s32 @!p1 $0x6300  }
0xc2: {  	v13 =	vld.idx.msk @!p1 [tilespmem:v13+s21+$0x0], $0x7  }
0xc3: {  	v16 =	vld.idx.msk @!p1 [tilespmem:v16+s21+$0x0], $0x7  }
0xc4: {  	v18 =	vtrunc.f32 @!p1 v17;
	v12 =	vsub.f32 @!p1 v12, v14  }
0xc5: {  	v14 =	vcvt.f32.s32 @!p1 v18  }
0xc6: {  	v18 =	vsub.f32 @!p1 $1.000000000e+00, v12  }
0xc7: {  	v19 =	vld @!p1 [tilespmem:$0xE480];
	v20 =	vcvt.s32.f32 @!p1 v14;
	v12 =	vnsel @!p1 vm4, $0x3F800000, v12  }
0xc8: {  	v13 =	vmul.f32 @!p1 v18, v13;
	v12 =	vmul.f32 @!p1 v12, v16;
	_ =	sdelay $0x1  }
0xc9: {  	vm4 =	vgt.f32 @!p1 v17, v20;
	v16 =	vsub.f32 @!p1 v17, v20;
	v12 =	vadd.f32 @!p1 v12, v13  }
0xca: {  	v13 =	vsel @!p1 vm4, $0x1, v15  }
0xcb: {  	v15 =	vsub.f32 @!p1 $1.000000000e+00, v16;
	v13 =	vadd.s32 @!p1 v14, v13;
	v12 =	vmul.f32 @!p1 v12, v19;
	_ =	sdelay $0x1  }
0xcc: {  	v16 =	vnsel @!p1 vm4, $0x3F800000, v16;
	v15 =	vmul.f32 @!p1 v12, v15  }
0xcd: {  	s21 =	simm.s32 @!p1 $0xA300;
	v12 =	vmul.f32 @!p1 v12, v16  }
0xce: {  	[tilespmem:v14+s21+$0x0] =	vst.idx.add.f32.msk @!p1 $0x7, v15  }
0xcf: {  	[tilespmem:v13+s21+$0x0] =	vst.idx.add.f32.msk @!p1 $0x7, v12  }
0xd0: {  	[spmem:s4] =	stream.indirect.scatter.add.f32 [tilespmem:s16], [sflag:$0x2], $0x80, s18, s17, $0xb8;
	[tilespmem:$0xE900] =	vst v63  }
0xd1: {  	_ =	swait.ge [sflag:s19], $0x4000  }
0xd2: {  	s20 =	sadd.s32 $0x1, s20;
	[sflag:s19] =	ssyncset.done $0x0  }
0xd3: {  	p2 =	sne.s32 s20, s11;
	[sflag:s19] =	ssyncadd.s32 $0xFFFFC000  }
0xd4: {  	s22 =	simm.s32 @!p0 $0x1C02;
	s21 =	sshrl.u32 @!p0 s4, $0x3;
	[bflag:$0x0] =	sbarrier.arrive $0xFFFF  }
0xd5: {  	[hbm:s10], [sflag:s22] =	dma.local @!p0 [spmem:s21], $0x800  }
.Ltmp2:
0xd6: {  	_ = 	snop;
	(pc) =	sbr.rel @p2 .LBB2_1-.Ltmp2, $4  }
0xd7: {  	s21 =	simm.s32 @!p0 $0x2  }
0xd8: {  	_ =	swait.ge @!p0 [sflag:s21], $0x800  }
0xd9: {  	[sflag:s21] =	ssyncset.done @!p0 $0x0  }
0xda: {  	vm10 =	vmmov vm6;
	[sflag:s21] =	ssyncadd.s32 @!p0 $0xFFFFF800  }
0xdb: {  	_ =	sfence.sel $0x180000  }
0xdc: {  	[bflag:$0x0] =	sbarrier.arrive $0xFFFF  }
0xdd: {  	_ =	strace $0x90000047  }
0xde: {  	s0 =	sadd.s32 @!p0 $0x100000, s2;
	[bflag:$0x2] =	sbarrier.arrive $0xFFFF  }
0xdf: {  	[sflag:s0] =	ssyncadd.tile.s32 @!p0 $0x1;
	_ =	shalt  }
.Lfunc_end2:
_tile_overlayer_lowered:
.L_overlay_start_2:
0xe0: {  	(tag) =	ssettag $0x2  }
0xe1: {  	s0 =	rddreg [dreg:$0x0];
	s2 =	stileid.u32  }
0xe2: {  	s1 =	rddreg [dreg:$0x1];
	p0 =	sne.s32 s2, $0x0  }
0xe3: {  	s3 =	rddreg [dreg:$0x2];
	[bflag:$0x3] =	sbarrier.arrive $0xFFFF;
	s2 =	simm.s32 @!p0 $0x1C02  }
0xe4: {  	[timem:s3], [sflag:s2] =	dma.local @!p0 [hbm:s0], s1  }
0xe5: {  	s0 =	simm.s32 @!p0 $0x2  }
0xe6: {  	_ =	swait.ge @!p0 [sflag:s0], s1  }
0xe7: {  	s1 =	ssub.s32 @!p0 $0x0, s1;
	[sflag:s0] =	ssyncset.done @!p0 $0x0  }
0xe8: {  	[sflag:s0] =	ssyncadd.s32 @!p0 s1  }
0xe9: {  	[bflag:$0x3] =	sbarrier.arrive $0xFFFF  }
0xea: {  	_ =	shalt  }

</sc_bundles>
